<compile_context>
chip_gen: v7x
topology: tpu7x:2x2x1
jax: 0.10.2.dev20260603
libtpu: 0.0.44.dev20260713+nightly
codegen_flags: <defaults>
</compile_context>

<pallas_src>
import functools

import jax
import jax.numpy as jnp
from jax import lax
from jax.experimental import pallas as pl
from jax.experimental.pallas import tpu as pltpu
from jax.experimental.pallas import tpu_sc as plsc

NFLAGS = 100000
BATCH = 16384
EMBED_DIM = 32
CONT_DIM = 64

_NC = 2
_NS = 16
_NW = _NC * _NS
_B_PER_W = BATCH // _NW
_CHUNK = 128
_N_CHUNKS = _B_PER_W // _CHUNK

_VROWS = 102400
_Q = _VROWS // 4
_PREP_G = 1280
_PREP_STEPS = _Q // _PREP_G


def _prep_body(t0_ref, t1_ref, t2_ref, t3_ref, out_ref):
    cat = jnp.concatenate(
        [t0_ref[...], t1_ref[...], t2_ref[...], t3_ref[...]], axis=0)
    out_ref[...] = cat.T


def _prep(flag_table_t):
    nb = _Q // _PREP_G
    last = (NFLAGS - 1) // _PREP_G

    def _mk(j):
        return lambda i: (0, jnp.minimum(i + j * nb, last))

    return pl.pallas_call(
        _prep_body,
        grid=(_PREP_STEPS,),
        in_specs=[
            pl.BlockSpec((EMBED_DIM, _PREP_G), _mk(0)),
            pl.BlockSpec((EMBED_DIM, _PREP_G), _mk(1)),
            pl.BlockSpec((EMBED_DIM, _PREP_G), _mk(2)),
            pl.BlockSpec((EMBED_DIM, _PREP_G), _mk(3)),
        ],
        out_specs=pl.BlockSpec((_PREP_G, 4 * EMBED_DIM), lambda i: (i, 0)),
        out_shape=jax.ShapeDtypeStruct((_Q, 4 * EMBED_DIM), jnp.float32),
    )(flag_table_t, flag_table_t, flag_table_t, flag_table_t)


def _sc_gather_body(flag_tab, class_tab, fidx_hbm, cidx_hbm,
                    fout_hbm, cout_hbm,
                    fidx_v, cidx_v, frows_v, crows_v, fsem, csem):
    wid = lax.axis_index("s") * _NC + lax.axis_index("c")
    base = wid * _B_PER_W

    pltpu.sync_copy(fidx_hbm.at[pl.ds(base, _B_PER_W)], fidx_v)
    pltpu.sync_copy(cidx_hbm.at[pl.ds(base, _B_PER_W)], cidx_v)

    copies = []
    for j in range(_N_CHUNKS):
        copies.append(pltpu.async_copy(
            flag_tab.at[fidx_v.at[pl.ds(j * _CHUNK, _CHUNK)]],
            frows_v.at[pl.ds(j * _CHUNK, _CHUNK)], fsem))
        copies.append(pltpu.async_copy(
            class_tab.at[cidx_v.at[pl.ds(j * _CHUNK, _CHUNK)]],
            crows_v.at[pl.ds(j * _CHUNK, _CHUNK)], csem))
    for c in copies:
        c.wait()

    jq = wid // (_NW // _PK)
    g0 = (wid % (_NW // _PK)) * _B_PER_W
    pltpu.sync_copy(
        frows_v,
        fout_hbm.at[pl.ds(g0, _B_PER_W), pl.ds(jq * EMBED_DIM, EMBED_DIM)])
    pltpu.sync_copy(
        crows_v,
        cout_hbm.at[pl.ds(g0, _B_PER_W), pl.ds(jq * EMBED_DIM, EMBED_DIM)])


def _sc_gather(flag_table_lin, class_table, fidx, cidx):
    mesh = plsc.VectorSubcoreMesh(core_axis_name="c", subcore_axis_name="s")
    kern = functools.partial(
        pl.kernel,
        mesh=mesh,
        out_type=[
            jax.ShapeDtypeStruct((BATCH // 4, 4 * EMBED_DIM), jnp.float32),
            jax.ShapeDtypeStruct((BATCH // 4, 4 * EMBED_DIM), jnp.float32),
        ],
        scratch_types=[
            pltpu.VMEM((_B_PER_W,), jnp.int32),
            pltpu.VMEM((_B_PER_W,), jnp.int32),
            pltpu.VMEM((_B_PER_W, EMBED_DIM), jnp.float32),
            pltpu.VMEM((_B_PER_W, EMBED_DIM), jnp.float32),
            pltpu.SemaphoreType.DMA,
            pltpu.SemaphoreType.DMA,
        ],
        compiler_params=pltpu.CompilerParams(use_tc_tiling_on_sc=False),
    )(_sc_gather_body)
    return kern(flag_table_lin, class_table, fidx, cidx)


_PK = 4
_PB = BATCH // _PK
_XW = _PK * CONT_DIM
_EW = _PK * EMBED_DIM


_XG = 1024


def _xprep_body(t0_ref, t1_ref, t2_ref, t3_ref, out_ref):
    cat = jnp.concatenate(
        [t0_ref[...], t1_ref[...], t2_ref[...], t3_ref[...]], axis=0)
    out_ref[...] = cat.T


def _xprep(x_cont_t):
    nb = _PB // _XG

    def _mk(j):
        return lambda i: (0, i + j * nb)

    return pl.pallas_call(
        _xprep_body,
        grid=(_PB // _XG,),
        in_specs=[
            pl.BlockSpec((CONT_DIM, _XG), _mk(0)),
            pl.BlockSpec((CONT_DIM, _XG), _mk(1)),
            pl.BlockSpec((CONT_DIM, _XG), _mk(2)),
            pl.BlockSpec((CONT_DIM, _XG), _mk(3)),
        ],
        out_specs=pl.BlockSpec((_XG, _XW), lambda i: (i, 0)),
        out_shape=jax.ShapeDtypeStruct((_PB, _XW), jnp.float32),
    )(x_cont_t, x_cont_t, x_cont_t, x_cont_t)


def _tc_matmul_body(x_ref, f_ref, c_ref, w0_ref, wf_ref, wc_ref, b_ref,
                    o_ref):
    acc = jnp.dot(x_ref[...], w0_ref[...],
                  preferred_element_type=jnp.float32)
    acc += jnp.dot(f_ref[...], wf_ref[...],
                   preferred_element_type=jnp.float32)
    acc += jnp.dot(c_ref[...], wc_ref[...],
                   preferred_element_type=jnp.float32)
    o_ref[...] = (acc + b_ref[...]).T


def _tc_matmul(x_packed, f_packed, c_packed, Wbd0, WbdF, WbdC, b4):
    blk = 512
    grid = (_PB // blk,)
    return pl.pallas_call(
        _tc_matmul_body,
        grid=grid,
        in_specs=[
            pl.BlockSpec((blk, _XW), lambda i: (i, 0)),
            pl.BlockSpec((blk, _EW), lambda i: (i, 0)),
            pl.BlockSpec((blk, _EW), lambda i: (i, 0)),
            pl.BlockSpec((_XW, _XW), lambda i: (0, 0)),
            pl.BlockSpec((_EW, _XW), lambda i: (0, 0)),
            pl.BlockSpec((_EW, _XW), lambda i: (0, 0)),
            pl.BlockSpec((1, _XW), lambda i: (0, 0)),
        ],
        out_specs=pl.BlockSpec((_XW, blk), lambda i: (0, i)),
        out_shape=jax.ShapeDtypeStruct((_XW, _PB), jnp.float32),
    )(x_packed, f_packed, c_packed, Wbd0, WbdF, WbdC, b4)


def kernel(x_cont, flag_idx, class_idx, flag_table, class_table, W, b):
    fidx = flag_idx.astype(jnp.int32)
    cidx = class_idx.astype(jnp.int32)
    fidx = 4 * (fidx % _Q) + fidx // _Q
    packed = _prep(flag_table.T)
    flag_table_lin = packed.reshape(_VROWS, EMBED_DIM)
    f_packed, c_packed = _sc_gather(flag_table_lin, class_table, fidx, cidx)

    eye4 = jnp.eye(_PK, dtype=jnp.float32)
    perm = jnp.arange(_XW)
    perm = (perm % _PK) * CONT_DIM + perm // _PK
    Wbd0 = jnp.kron(eye4, W[0:CONT_DIM, :])[:, perm]
    WbdF = jnp.kron(eye4, W[CONT_DIM:CONT_DIM + EMBED_DIM, :])[:, perm]
    WbdC = jnp.kron(eye4, W[CONT_DIM + EMBED_DIM:, :])[:, perm]
    b4 = jnp.repeat(b, _PK).reshape(1, _XW)

    x_packed = _xprep(x_cont.T)
    out_t = _tc_matmul(x_packed, f_packed, c_packed, Wbd0, WbdF, WbdC, b4)
    return out_t.reshape(CONT_DIM, BATCH).T

# --- scband reference (transcript-rebuilt; emitter-appended) ---
"""Pipeline reference for scband-vessel-embedding-46428596470123 (READ-ONLY COPY).

The authoritative reference and input builder live on the scoring server;
editing this copy changes nothing except your own understanding.
"""

import jax, jax.numpy as jnp
import numpy as np

NUM_FLAGS = 100000
NUM_CLASSES = 1000
EMBED_DIM = 32
CONT_DIM = 64
BATCH = 16384


def setup_inputs(seed: int = 0) -> dict:
    key = jax.random.key(seed)
    k1, k2, k3, k4, k5, k6, k7 = jax.random.split(key, 7)
    x_cont = jax.random.normal(k1, (BATCH, CONT_DIM), dtype=jnp.float32)
    flag_idx = jax.random.randint(k2, (BATCH,), 0, NUM_FLAGS, dtype=jnp.int64 if jax.config.jax_enable_x64 else jnp.int32)
    class_idx = jax.random.randint(k3, (BATCH,), 0, NUM_CLASSES, dtype=jnp.int64 if jax.config.jax_enable_x64 else jnp.int32)
    flag_table = jax.random.normal(k4, (NUM_FLAGS, EMBED_DIM), dtype=jnp.float32)
    class_table = jax.random.normal(k5, (NUM_CLASSES, EMBED_DIM), dtype=jnp.float32)
    in_dim = CONT_DIM + 2 * EMBED_DIM
    bound = 1.0 / np.sqrt(in_dim)
    W = jax.random.uniform(k6, (in_dim, CONT_DIM), minval=-bound, maxval=bound, dtype=jnp.float32)
    b = jax.random.uniform(k7, (CONT_DIM,), minval=-bound, maxval=bound, dtype=jnp.float32)
    return {"x_cont": x_cont, "flag_idx": flag_idx, "class_idx": class_idx,
            "flag_table": flag_table, "class_table": class_table, "W": W, "b": b}


def reference(x_cont, flag_idx, class_idx, flag_table, class_table, W, b):
    # embedding lookups (gather)
    flag_emb = jnp.take(flag_table, flag_idx, axis=0)
    class_emb = jnp.take(class_table, class_idx, axis=0)
    # concat continuous + embeds
    x_cat = jnp.concatenate([x_cont, flag_emb, class_emb], axis=-1)
    # dropout with p=0.0 (eval / no-op)
    # linear projection
    out = x_cat @ W + b
    return out

if __name__ == "__main__":
    import jax
    _d = setup_inputs()
    print(jax.jit(kernel)(*tuple(_d.values())))

</pallas_src>

<mosaic_0001>
#map = affine_map<(d0, d1) -> (0, 0)>
#map1 = affine_map<(d0, d1) -> (0)>
module attributes {stable_mosaic.version = 14 : i64} {
  func.func @_sc_gather_body(%arg0: i32, %arg1: i32, %arg2: memref<102400x32xf32, #tpu.memory_space<hbm>>, %arg3: memref<1000x32xf32, #tpu.memory_space<hbm>>, %arg4: memref<16384xi32, #tpu.memory_space<hbm>>, %arg5: memref<16384xi32, #tpu.memory_space<hbm>>, %arg6: memref<4096x128xf32, #tpu.memory_space<hbm>>, %arg7: memref<4096x128xf32, #tpu.memory_space<hbm>>, %arg8: memref<512xi32, #tpu.memory_space<vmem>>, %arg9: memref<512xi32, #tpu.memory_space<vmem>>, %arg10: memref<512x32xf32, #tpu.memory_space<vmem>>, %arg11: memref<512x32xf32, #tpu.memory_space<vmem>>, %arg12: memref<!tpu.dma_semaphore, #tpu.memory_space<semaphore_mem>>, %arg13: memref<!tpu.dma_semaphore, #tpu.memory_space<semaphore_mem>>) attributes {dimension_semantics = [#tpu.dimension_semantics<core_parallel>, #tpu.dimension_semantics<subcore_parallel>], iteration_bounds = array<i64: 2, 16>, scalar_prefetch = 0 : i64, scratch_operands = 6 : i64, tpu.core_type = #tpu.core_type<sc_vector_subcore>, window_params = [{transform_indices = #map}, {transform_indices = #map}, {transform_indices = #map1}, {transform_indices = #map1}, {transform_indices = #map}, {transform_indices = #map}]} {
    %mul3A = arith.constant 2 : i32
    %mul3A_0 = arith.muli %arg1, %mul3A : i32
    %add3A = arith.addi %mul3A_0, %arg0 : i32
    %mul3A_1 = arith.constant 512 : i32
    %mul3A_2 = arith.muli %add3A, %mul3A_1 : i32
    "tpu.region"() ({
      %run_scoped3A = tpu.sem_alloc : memref<!tpu.dma_semaphore, #tpu.memory_space<semaphore_mem>>
      %dma_start3A_165 = tpu.memref_slice %arg4[%mul3A_2] : memref<16384xi32, #tpu.memory_space<hbm>> -> memref<512xi32, #tpu.memory_space<hbm>>
      %dma_start3A_166 = tpu.memref_slice %arg4[%mul3A_2] : memref<16384xi32, #tpu.memory_space<hbm>> -> memref<512xi32, #tpu.memory_space<hbm>>
      tpu.enqueue_dma source(%dma_start3A_166 : memref<512xi32, #tpu.memory_space<hbm>>) target(%arg8 : memref<512xi32, #tpu.memory_space<vmem>>) target_semaphore(%run_scoped3A : memref<!tpu.dma_semaphore, #tpu.memory_space<semaphore_mem>>)
      %dma_wait3A_167 = tpu.memref_slice %arg4[%mul3A_2] : memref<16384xi32, #tpu.memory_space<hbm>> -> memref<512xi32, #tpu.memory_space<hbm>>
      %dma_wait3A_168 = tpu.memref_slice %arg4[%mul3A_2] : memref<16384xi32, #tpu.memory_space<hbm>> -> memref<512xi32, #tpu.memory_space<hbm>>
      tpu.wait_dma2 semaphore(%run_scoped3A : memref<!tpu.dma_semaphore, #tpu.memory_space<semaphore_mem>>) src(%dma_wait3A_168 : memref<512xi32, #tpu.memory_space<hbm>>) dst(%arg8 : memref<512xi32, #tpu.memory_space<vmem>>)
      tpu.yield
    }) : () -> ()
    "tpu.region"() ({
      %run_scoped3A = tpu.sem_alloc : memref<!tpu.dma_semaphore, #tpu.memory_space<semaphore_mem>>
      %dma_start3A_165 = tpu.memref_slice %arg5[%mul3A_2] : memref<16384xi32, #tpu.memory_space<hbm>> -> memref<512xi32, #tpu.memory_space<hbm>>
      %dma_start3A_166 = tpu.memref_slice %arg5[%mul3A_2] : memref<16384xi32, #tpu.memory_space<hbm>> -> memref<512xi32, #tpu.memory_space<hbm>>
      tpu.enqueue_dma source(%dma_start3A_166 : memref<512xi32, #tpu.memory_space<hbm>>) target(%arg9 : memref<512xi32, #tpu.memory_space<vmem>>) target_semaphore(%run_scoped3A : memref<!tpu.dma_semaphore, #tpu.memory_space<semaphore_mem>>)
      %dma_wait3A_167 = tpu.memref_slice %arg5[%mul3A_2] : memref<16384xi32, #tpu.memory_space<hbm>> -> memref<512xi32, #tpu.memory_space<hbm>>
      %dma_wait3A_168 = tpu.memref_slice %arg5[%mul3A_2] : memref<16384xi32, #tpu.memory_space<hbm>> -> memref<512xi32, #tpu.memory_space<hbm>>
      tpu.wait_dma2 semaphore(%run_scoped3A : memref<!tpu.dma_semaphore, #tpu.memory_space<semaphore_mem>>) src(%dma_wait3A_168 : memref<512xi32, #tpu.memory_space<hbm>>) dst(%arg9 : memref<512xi32, #tpu.memory_space<vmem>>)
      tpu.yield
    }) : () -> ()
    %dma_start3A = arith.constant 0 : i32
    %dma_start3A_3 = arith.constant 0 : i32
    %dma_start3A_4 = tpu.memref_slice %arg10[%dma_start3A, %dma_start3A_3] : memref<512x32xf32, #tpu.memory_space<vmem>> -> memref<128x32xf32, #tpu.memory_space<vmem>>
    %dma_start3A_5 = arith.constant 0 : i32
    %dma_start3A_6 = tpu.memref_slice %arg8[%dma_start3A_5] : memref<512xi32, #tpu.memory_space<vmem>> -> memref<128xi32, #tpu.memory_space<vmem>>
    %dma_start3A_7 = arith.constant 0 : i32
    %dma_start3A_8 = arith.constant 0 : i32
    %dma_start3A_9 = tpu.memref_slice %arg2[%dma_start3A_7, %dma_start3A_8] : memref<102400x32xf32, #tpu.memory_space<hbm>> -> memref<102400x32xf32, #tpu.memory_space<hbm>>
    tpu.enqueue_indirect_dma source(%dma_start3A_9 : memref<102400x32xf32, #tpu.memory_space<hbm>>) target(%dma_start3A_4 : memref<128x32xf32, #tpu.memory_space<vmem>>) offsets(%dma_start3A_6 : memref<128xi32, #tpu.memory_space<vmem>>) semaphore(%arg12 : memref<!tpu.dma_semaphore, #tpu.memory_space<semaphore_mem>>)
    %dma_start3A_10 = arith.constant 0 : i32
    %dma_start3A_11 = arith.constant 0 : i32
    %dma_start3A_12 = tpu.memref_slice %arg11[%dma_start3A_10, %dma_start3A_11] : memref<512x32xf32, #tpu.memory_space<vmem>> -> memref<128x32xf32, #tpu.memory_space<vmem>>
    %dma_start3A_13 = arith.constant 0 : i32
    %dma_start3A_14 = tpu.memref_slice %arg9[%dma_start3A_13] : memref<512xi32, #tpu.memory_space<vmem>> -> memref<128xi32, #tpu.memory_space<vmem>>
    %dma_start3A_15 = arith.constant 0 : i32
    %dma_start3A_16 = arith.constant 0 : i32
    %dma_start3A_17 = tpu.memref_slice %arg3[%dma_start3A_15, %dma_start3A_16] : memref<1000x32xf32, #tpu.memory_space<hbm>> -> memref<1000x32xf32, #tpu.memory_space<hbm>>
    tpu.enqueue_indirect_dma source(%dma_start3A_17 : memref<1000x32xf32, #tpu.memory_space<hbm>>) target(%dma_start3A_12 : memref<128x32xf32, #tpu.memory_space<vmem>>) offsets(%dma_start3A_14 : memref<128xi32, #tpu.memory_space<vmem>>) semaphore(%arg13 : memref<!tpu.dma_semaphore, #tpu.memory_space<semaphore_mem>>)
    %dma_start3A_18 = arith.constant 128 : i32
    %dma_start3A_19 = arith.constant 0 : i32
    %dma_start3A_20 = tpu.memref_slice %arg10[%dma_start3A_18, %dma_start3A_19] : memref<512x32xf32, #tpu.memory_space<vmem>> -> memref<128x32xf32, #tpu.memory_space<vmem>>
    %dma_start3A_21 = arith.constant 128 : i32
    %dma_start3A_22 = tpu.memref_slice %arg8[%dma_start3A_21] : memref<512xi32, #tpu.memory_space<vmem>> -> memref<128xi32, #tpu.memory_space<vmem>>
    %dma_start3A_23 = arith.constant 0 : i32
    %dma_start3A_24 = arith.constant 0 : i32
    %dma_start3A_25 = tpu.memref_slice %arg2[%dma_start3A_23, %dma_start3A_24] : memref<102400x32xf32, #tpu.memory_space<hbm>> -> memref<102400x32xf32, #tpu.memory_space<hbm>>
    tpu.enqueue_indirect_dma source(%dma_start3A_25 : memref<102400x32xf32, #tpu.memory_space<hbm>>) target(%dma_start3A_20 : memref<128x32xf32, #tpu.memory_space<vmem>>) offsets(%dma_start3A_22 : memref<128xi32, #tpu.memory_space<vmem>>) semaphore(%arg12 : memref<!tpu.dma_semaphore, #tpu.memory_space<semaphore_mem>>)
    %dma_start3A_26 = arith.constant 128 : i32
    %dma_start3A_27 = arith.constant 0 : i32
    %dma_start3A_28 = tpu.memref_slice %arg11[%dma_start3A_26, %dma_start3A_27] : memref<512x32xf32, #tpu.memory_space<vmem>> -> memref<128x32xf32, #tpu.memory_space<vmem>>
    %dma_start3A_29 = arith.constant 128 : i32
    %dma_start3A_30 = tpu.memref_slice %arg9[%dma_start3A_29] : memref<512xi32, #tpu.memory_space<vmem>> -> memref<128xi32, #tpu.memory_space<vmem>>
    %dma_start3A_31 = arith.constant 0 : i32
    %dma_start3A_32 = arith.constant 0 : i32
    %dma_start3A_33 = tpu.memref_slice %arg3[%dma_start3A_31, %dma_start3A_32] : memref<1000x32xf32, #tpu.memory_space<hbm>> -> memref<1000x32xf32, #tpu.memory_space<hbm>>
    tpu.enqueue_indirect_dma source(%dma_start3A_33 : memref<1000x32xf32, #tpu.memory_space<hbm>>) target(%dma_start3A_28 : memref<128x32xf32, #tpu.memory_space<vmem>>) offsets(%dma_start3A_30 : memref<128xi32, #tpu.memory_space<vmem>>) semaphore(%arg13 : memref<!tpu.dma_semaphore, #tpu.memory_space<semaphore_mem>>)
    %dma_start3A_34 = arith.constant 256 : i32
    %dma_start3A_35 = arith.constant 0 : i32
    %dma_start3A_36 = tpu.memref_slice %arg10[%dma_start3A_34, %dma_start3A_35] : memref<512x32xf32, #tpu.memory_space<vmem>> -> memref<128x32xf32, #tpu.memory_space<vmem>>
    %dma_start3A_37 = arith.constant 256 : i32
    %dma_start3A_38 = tpu.memref_slice %arg8[%dma_start3A_37] : memref<512xi32, #tpu.memory_space<vmem>> -> memref<128xi32, #tpu.memory_space<vmem>>
    %dma_start3A_39 = arith.constant 0 : i32
    %dma_start3A_40 = arith.constant 0 : i32
    %dma_start3A_41 = tpu.memref_slice %arg2[%dma_start3A_39, %dma_start3A_40] : memref<102400x32xf32, #tpu.memory_space<hbm>> -> memref<102400x32xf32, #tpu.memory_space<hbm>>
    tpu.enqueue_indirect_dma source(%dma_start3A_41 : memref<102400x32xf32, #tpu.memory_space<hbm>>) target(%dma_start3A_36 : memref<128x32xf32, #tpu.memory_space<vmem>>) offsets(%dma_start3A_38 : memref<128xi32, #tpu.memory_space<vmem>>) semaphore(%arg12 : memref<!tpu.dma_semaphore, #tpu.memory_space<semaphore_mem>>)
    %dma_start3A_42 = arith.constant 256 : i32
    %dma_start3A_43 = arith.constant 0 : i32
    %dma_start3A_44 = tpu.memref_slice %arg11[%dma_start3A_42, %dma_start3A_43] : memref<512x32xf32, #tpu.memory_space<vmem>> -> memref<128x32xf32, #tpu.memory_space<vmem>>
    %dma_start3A_45 = arith.constant 256 : i32
    %dma_start3A_46 = tpu.memref_slice %arg9[%dma_start3A_45] : memref<512xi32, #tpu.memory_space<vmem>> -> memref<128xi32, #tpu.memory_space<vmem>>
    %dma_start3A_47 = arith.constant 0 : i32
    %dma_start3A_48 = arith.constant 0 : i32
    %dma_start3A_49 = tpu.memref_slice %arg3[%dma_start3A_47, %dma_start3A_48] : memref<1000x32xf32, #tpu.memory_space<hbm>> -> memref<1000x32xf32, #tpu.memory_space<hbm>>
    tpu.enqueue_indirect_dma source(%dma_start3A_49 : memref<1000x32xf32, #tpu.memory_space<hbm>>) target(%dma_start3A_44 : memref<128x32xf32, #tpu.memory_space<vmem>>) offsets(%dma_start3A_46 : memref<128xi32, #tpu.memory_space<vmem>>) semaphore(%arg13 : memref<!tpu.dma_semaphore, #tpu.memory_space<semaphore_mem>>)
    %dma_start3A_50 = arith.constant 384 : i32
    %dma_start3A_51 = arith.constant 0 : i32
    %dma_start3A_52 = tpu.memref_slice %arg10[%dma_start3A_50, %dma_start3A_51] : memref<512x32xf32, #tpu.memory_space<vmem>> -> memref<128x32xf32, #tpu.memory_space<vmem>>
    %dma_start3A_53 = arith.constant 384 : i32
    %dma_start3A_54 = tpu.memref_slice %arg8[%dma_start3A_53] : memref<512xi32, #tpu.memory_space<vmem>> -> memref<128xi32, #tpu.memory_space<vmem>>
    %dma_start3A_55 = arith.constant 0 : i32
    %dma_start3A_56 = arith.constant 0 : i32
    %dma_start3A_57 = tpu.memref_slice %arg2[%dma_start3A_55, %dma_start3A_56] : memref<102400x32xf32, #tpu.memory_space<hbm>> -> memref<102400x32xf32, #tpu.memory_space<hbm>>
    tpu.enqueue_indirect_dma source(%dma_start3A_57 : memref<102400x32xf32, #tpu.memory_space<hbm>>) target(%dma_start3A_52 : memref<128x32xf32, #tpu.memory_space<vmem>>) offsets(%dma_start3A_54 : memref<128xi32, #tpu.memory_space<vmem>>) semaphore(%arg12 : memref<!tpu.dma_semaphore, #tpu.memory_space<semaphore_mem>>)
    %dma_start3A_58 = arith.constant 384 : i32
    %dma_start3A_59 = arith.constant 0 : i32
    %dma_start3A_60 = tpu.memref_slice %arg11[%dma_start3A_58, %dma_start3A_59] : memref<512x32xf32, #tpu.memory_space<vmem>> -> memref<128x32xf32, #tpu.memory_space<vmem>>
    %dma_start3A_61 = arith.constant 384 : i32
    %dma_start3A_62 = tpu.memref_slice %arg9[%dma_start3A_61] : memref<512xi32, #tpu.memory_space<vmem>> -> memref<128xi32, #tpu.memory_space<vmem>>
    %dma_start3A_63 = arith.constant 0 : i32
    %dma_start3A_64 = arith.constant 0 : i32
    %dma_start3A_65 = tpu.memref_slice %arg3[%dma_start3A_63, %dma_start3A_64] : memref<1000x32xf32, #tpu.memory_space<hbm>> -> memref<1000x32xf32, #tpu.memory_space<hbm>>
    tpu.enqueue_indirect_dma source(%dma_start3A_65 : memref<1000x32xf32, #tpu.memory_space<hbm>>) target(%dma_start3A_60 : memref<128x32xf32, #tpu.memory_space<vmem>>) offsets(%dma_start3A_62 : memref<128xi32, #tpu.memory_space<vmem>>) semaphore(%arg13 : memref<!tpu.dma_semaphore, #tpu.memory_space<semaphore_mem>>)
    %dma_wait3A = arith.constant 0 : i32
    %dma_wait3A_66 = arith.constant 0 : i32
    %dma_wait3A_67 = tpu.memref_slice %arg10[%dma_wait3A, %dma_wait3A_66] : memref<512x32xf32, #tpu.memory_space<vmem>> -> memref<128x32xf32, #tpu.memory_space<vmem>>
    %dma_wait3A_68 = arith.constant 0 : i32
    %dma_wait3A_69 = tpu.memref_slice %arg8[%dma_wait3A_68] : memref<512xi32, #tpu.memory_space<vmem>> -> memref<128xi32, #tpu.memory_space<vmem>>
    %dma_wait3A_70 = arith.constant 0 : i32
    %dma_wait3A_71 = arith.constant 0 : i32
    %dma_wait3A_72 = tpu.memref_slice %arg2[%dma_wait3A_70, %dma_wait3A_71] : memref<102400x32xf32, #tpu.memory_space<hbm>> -> memref<102400x32xf32, #tpu.memory_space<hbm>>
    tpu.wait_indirect_dma semaphore(%arg12 : memref<!tpu.dma_semaphore, #tpu.memory_space<semaphore_mem>>) src(%dma_wait3A_72 : memref<102400x32xf32, #tpu.memory_space<hbm>>) dst(%dma_wait3A_67 : memref<128x32xf32, #tpu.memory_space<vmem>>)
    %dma_wait3A_73 = arith.constant 0 : i32
    %dma_wait3A_74 = arith.constant 0 : i32
    %dma_wait3A_75 = tpu.memref_slice %arg11[%dma_wait3A_73, %dma_wait3A_74] : memref<512x32xf32, #tpu.memory_space<vmem>> -> memref<128x32xf32, #tpu.memory_space<vmem>>
    %dma_wait3A_76 = arith.constant 0 : i32
    %dma_wait3A_77 = tpu.memref_slice %arg9[%dma_wait3A_76] : memref<512xi32, #tpu.memory_space<vmem>> -> memref<128xi32, #tpu.memory_space<vmem>>
    %dma_wait3A_78 = arith.constant 0 : i32
    %dma_wait3A_79 = arith.constant 0 : i32
    %dma_wait3A_80 = tpu.memref_slice %arg3[%dma_wait3A_78, %dma_wait3A_79] : memref<1000x32xf32, #tpu.memory_space<hbm>> -> memref<1000x32xf32, #tpu.memory_space<hbm>>
    tpu.wait_indirect_dma semaphore(%arg13 : memref<!tpu.dma_semaphore, #tpu.memory_space<semaphore_mem>>) src(%dma_wait3A_80 : memref<1000x32xf32, #tpu.memory_space<hbm>>) dst(%dma_wait3A_75 : memref<128x32xf32, #tpu.memory_space<vmem>>)
    %dma_wait3A_81 = arith.constant 128 : i32
    %dma_wait3A_82 = arith.constant 0 : i32
    %dma_wait3A_83 = tpu.memref_slice %arg10[%dma_wait3A_81, %dma_wait3A_82] : memref<512x32xf32, #tpu.memory_space<vmem>> -> memref<128x32xf32, #tpu.memory_space<vmem>>
    %dma_wait3A_84 = arith.constant 128 : i32
    %dma_wait3A_85 = tpu.memref_slice %arg8[%dma_wait3A_84] : memref<512xi32, #tpu.memory_space<vmem>> -> memref<128xi32, #tpu.memory_space<vmem>>
    %dma_wait3A_86 = arith.constant 0 : i32
    %dma_wait3A_87 = arith.constant 0 : i32
    %dma_wait3A_88 = tpu.memref_slice %arg2[%dma_wait3A_86, %dma_wait3A_87] : memref<102400x32xf32, #tpu.memory_space<hbm>> -> memref<102400x32xf32, #tpu.memory_space<hbm>>
    tpu.wait_indirect_dma semaphore(%arg12 : memref<!tpu.dma_semaphore, #tpu.memory_space<semaphore_mem>>) src(%dma_wait3A_88 : memref<102400x32xf32, #tpu.memory_space<hbm>>) dst(%dma_wait3A_83 : memref<128x32xf32, #tpu.memory_space<vmem>>)
    %dma_wait3A_89 = arith.constant 128 : i32
    %dma_wait3A_90 = arith.constant 0 : i32
    %dma_wait3A_91 = tpu.memref_slice %arg11[%dma_wait3A_89, %dma_wait3A_90] : memref<512x32xf32, #tpu.memory_space<vmem>> -> memref<128x32xf32, #tpu.memory_space<vmem>>
    %dma_wait3A_92 = arith.constant 128 : i32
    %dma_wait3A_93 = tpu.memref_slice %arg9[%dma_wait3A_92] : memref<512xi32, #tpu.memory_space<vmem>> -> memref<128xi32, #tpu.memory_space<vmem>>
    %dma_wait3A_94 = arith.constant 0 : i32
    %dma_wait3A_95 = arith.constant 0 : i32
    %dma_wait3A_96 = tpu.memref_slice %arg3[%dma_wait3A_94, %dma_wait3A_95] : memref<1000x32xf32, #tpu.memory_space<hbm>> -> memref<1000x32xf32, #tpu.memory_space<hbm>>
    tpu.wait_indirect_dma semaphore(%arg13 : memref<!tpu.dma_semaphore, #tpu.memory_space<semaphore_mem>>) src(%dma_wait3A_96 : memref<1000x32xf32, #tpu.memory_space<hbm>>) dst(%dma_wait3A_91 : memref<128x32xf32, #tpu.memory_space<vmem>>)
    %dma_wait3A_97 = arith.constant 256 : i32
    %dma_wait3A_98 = arith.constant 0 : i32
    %dma_wait3A_99 = tpu.memref_slice %arg10[%dma_wait3A_97, %dma_wait3A_98] : memref<512x32xf32, #tpu.memory_space<vmem>> -> memref<128x32xf32, #tpu.memory_space<vmem>>
    %dma_wait3A_100 = arith.constant 256 : i32
    %dma_wait3A_101 = tpu.memref_slice %arg8[%dma_wait3A_100] : memref<512xi32, #tpu.memory_space<vmem>> -> memref<128xi32, #tpu.memory_space<vmem>>
    %dma_wait3A_102 = arith.constant 0 : i32
    %dma_wait3A_103 = arith.constant 0 : i32
    %dma_wait3A_104 = tpu.memref_slice %arg2[%dma_wait3A_102, %dma_wait3A_103] : memref<102400x32xf32, #tpu.memory_space<hbm>> -> memref<102400x32xf32, #tpu.memory_space<hbm>>
    tpu.wait_indirect_dma semaphore(%arg12 : memref<!tpu.dma_semaphore, #tpu.memory_space<semaphore_mem>>) src(%dma_wait3A_104 : memref<102400x32xf32, #tpu.memory_space<hbm>>) dst(%dma_wait3A_99 : memref<128x32xf32, #tpu.memory_space<vmem>>)
    %dma_wait3A_105 = arith.constant 256 : i32
    %dma_wait3A_106 = arith.constant 0 : i32
    %dma_wait3A_107 = tpu.memref_slice %arg11[%dma_wait3A_105, %dma_wait3A_106] : memref<512x32xf32, #tpu.memory_space<vmem>> -> memref<128x32xf32, #tpu.memory_space<vmem>>
    %dma_wait3A_108 = arith.constant 256 : i32
    %dma_wait3A_109 = tpu.memref_slice %arg9[%dma_wait3A_108] : memref<512xi32, #tpu.memory_space<vmem>> -> memref<128xi32, #tpu.memory_space<vmem>>
    %dma_wait3A_110 = arith.constant 0 : i32
    %dma_wait3A_111 = arith.constant 0 : i32
    %dma_wait3A_112 = tpu.memref_slice %arg3[%dma_wait3A_110, %dma_wait3A_111] : memref<1000x32xf32, #tpu.memory_space<hbm>> -> memref<1000x32xf32, #tpu.memory_space<hbm>>
    tpu.wait_indirect_dma semaphore(%arg13 : memref<!tpu.dma_semaphore, #tpu.memory_space<semaphore_mem>>) src(%dma_wait3A_112 : memref<1000x32xf32, #tpu.memory_space<hbm>>) dst(%dma_wait3A_107 : memref<128x32xf32, #tpu.memory_space<vmem>>)
    %dma_wait3A_113 = arith.constant 384 : i32
    %dma_wait3A_114 = arith.constant 0 : i32
    %dma_wait3A_115 = tpu.memref_slice %arg10[%dma_wait3A_113, %dma_wait3A_114] : memref<512x32xf32, #tpu.memory_space<vmem>> -> memref<128x32xf32, #tpu.memory_space<vmem>>
    %dma_wait3A_116 = arith.constant 384 : i32
    %dma_wait3A_117 = tpu.memref_slice %arg8[%dma_wait3A_116] : memref<512xi32, #tpu.memory_space<vmem>> -> memref<128xi32, #tpu.memory_space<vmem>>
    %dma_wait3A_118 = arith.constant 0 : i32
    %dma_wait3A_119 = arith.constant 0 : i32
    %dma_wait3A_120 = tpu.memref_slice %arg2[%dma_wait3A_118, %dma_wait3A_119] : memref<102400x32xf32, #tpu.memory_space<hbm>> -> memref<102400x32xf32, #tpu.memory_space<hbm>>
    tpu.wait_indirect_dma semaphore(%arg12 : memref<!tpu.dma_semaphore, #tpu.memory_space<semaphore_mem>>) src(%dma_wait3A_120 : memref<102400x32xf32, #tpu.memory_space<hbm>>) dst(%dma_wait3A_115 : memref<128x32xf32, #tpu.memory_space<vmem>>)
    %dma_wait3A_121 = arith.constant 384 : i32
    %dma_wait3A_122 = arith.constant 0 : i32
    %dma_wait3A_123 = tpu.memref_slice %arg11[%dma_wait3A_121, %dma_wait3A_122] : memref<512x32xf32, #tpu.memory_space<vmem>> -> memref<128x32xf32, #tpu.memory_space<vmem>>
    %dma_wait3A_124 = arith.constant 384 : i32
    %dma_wait3A_125 = tpu.memref_slice %arg9[%dma_wait3A_124] : memref<512xi32, #tpu.memory_space<vmem>> -> memref<128xi32, #tpu.memory_space<vmem>>
    %dma_wait3A_126 = arith.constant 0 : i32
    %dma_wait3A_127 = arith.constant 0 : i32
    %dma_wait3A_128 = tpu.memref_slice %arg3[%dma_wait3A_126, %dma_wait3A_127] : memref<1000x32xf32, #tpu.memory_space<hbm>> -> memref<1000x32xf32, #tpu.memory_space<hbm>>
    tpu.wait_indirect_dma semaphore(%arg13 : memref<!tpu.dma_semaphore, #tpu.memory_space<semaphore_mem>>) src(%dma_wait3A_128 : memref<1000x32xf32, #tpu.memory_space<hbm>>) dst(%dma_wait3A_123 : memref<128x32xf32, #tpu.memory_space<vmem>>)
    %jit3A = arith.constant 8 : i32
    %div3A = arith.divsi %add3A, %jit3A : i32
    %sign3A = arith.constant 0 : i32
    %sign3A_129 = arith.cmpi sgt, %add3A, %sign3A : i32
    %sign3A_130 = arith.extui %sign3A_129 : i1 to i32
    %sign3A_131 = arith.constant 0 : i32
    %sign3A_132 = arith.cmpi slt, %add3A, %sign3A_131 : i32
    %sign3A_133 = arith.extui %sign3A_132 : i1 to i32
    %sign3A_134 = arith.subi %sign3A_130, %sign3A_133 : i32
    %sign3A_135 = arith.constant 0 : i32
    %sign3A_136 = arith.cmpi sgt, %jit3A, %sign3A_135 : i32
    %sign3A_137 = arith.extui %sign3A_136 : i1 to i32
    %sign3A_138 = arith.constant 0 : i32
    %sign3A_139 = arith.cmpi slt, %jit3A, %sign3A_138 : i32
    %sign3A_140 = arith.extui %sign3A_139 : i1 to i32
    %sign3A_141 = arith.subi %sign3A_137, %sign3A_140 : i32
    %ne3A = arith.cmpi ne, %sign3A_134, %sign3A_141 : i32
    %rem3A = arith.remsi %add3A, %jit3A : i32
    %ne3A_142 = arith.constant 0 : i32
    %ne3A_143 = arith.cmpi ne, %rem3A, %ne3A_142 : i32
    %and3A = arith.andi %ne3A, %ne3A_143 : i1
    %sub3A = arith.constant 1 : i32
    %sub3A_144 = arith.subi %div3A, %sub3A : i32
    %select_n3A = arith.select %and3A, %sub3A_144, %div3A : i32
    %jit3A_145 = arith.constant 8 : i32
    %eq3A = arith.constant 0 : i32
    %eq3A_146 = arith.cmpi eq, %jit3A_145, %eq3A : i32
    %jit3A_147 = arith.constant 1 : i32
    %select_n3A_148 = arith.select %eq3A_146, %jit3A_147, %jit3A_145 : i32
    %rem3A_149 = arith.remsi %add3A, %select_n3A_148 : i32
    %ne3A_150 = arith.constant 0 : i32
    %ne3A_151 = arith.cmpi ne, %rem3A_149, %ne3A_150 : i32
    %lt3A = arith.constant 0 : i32
    %lt3A_152 = arith.cmpi slt, %rem3A_149, %lt3A : i32
    %lt3A_153 = arith.constant 0 : i32
    %lt3A_154 = arith.cmpi slt, %select_n3A_148, %lt3A_153 : i32
    %ne3A_155 = arith.xori %lt3A_152, %lt3A_154 : i1
    %and3A_156 = arith.andi %ne3A_155, %ne3A_151 : i1
    %add3A_157 = arith.addi %rem3A_149, %select_n3A_148 : i32
    %select_n3A_158 = arith.select %and3A_156, %add3A_157, %rem3A_149 : i32
    %mul3A_159 = arith.constant 512 : i32
    %mul3A_160 = arith.muli %select_n3A_158, %mul3A_159 : i32
    %mul3A_161 = arith.constant 32 : i32
    %mul3A_162 = arith.muli %select_n3A, %mul3A_161 : i32
    "tpu.region"() ({
      %run_scoped3A = tpu.sem_alloc : memref<!tpu.dma_semaphore, #tpu.memory_space<semaphore_mem>>
      %dma_start3A_165 = tpu.memref_slice %arg6[%mul3A_160, %mul3A_162] : memref<4096x128xf32, #tpu.memory_space<hbm>> -> memref<512x32xf32, #tpu.memory_space<hbm>>
      %dma_start3A_166 = tpu.memref_slice %arg6[%mul3A_160, %mul3A_162] : memref<4096x128xf32, #tpu.memory_space<hbm>> -> memref<512x32xf32, #tpu.memory_space<hbm>>
      tpu.enqueue_dma source(%arg10 : memref<512x32xf32, #tpu.memory_space<vmem>>) target(%dma_start3A_166 : memref<512x32xf32, #tpu.memory_space<hbm>>) target_semaphore(%run_scoped3A : memref<!tpu.dma_semaphore, #tpu.memory_space<semaphore_mem>>)
      %dma_wait3A_167 = tpu.memref_slice %arg6[%mul3A_160, %mul3A_162] : memref<4096x128xf32, #tpu.memory_space<hbm>> -> memref<512x32xf32, #tpu.memory_space<hbm>>
      %dma_wait3A_168 = tpu.memref_slice %arg6[%mul3A_160, %mul3A_162] : memref<4096x128xf32, #tpu.memory_space<hbm>> -> memref<512x32xf32, #tpu.memory_space<hbm>>
      tpu.wait_dma2 semaphore(%run_scoped3A : memref<!tpu.dma_semaphore, #tpu.memory_space<semaphore_mem>>) src(%arg10 : memref<512x32xf32, #tpu.memory_space<vmem>>) dst(%dma_wait3A_168 : memref<512x32xf32, #tpu.memory_space<hbm>>)
      tpu.yield
    }) : () -> ()
    %mul3A_163 = arith.constant 32 : i32
    %mul3A_164 = arith.muli %select_n3A, %mul3A_163 : i32
    "tpu.region"() ({
      %run_scoped3A = tpu.sem_alloc : memref<!tpu.dma_semaphore, #tpu.memory_space<semaphore_mem>>
      %dma_start3A_165 = tpu.memref_slice %arg7[%mul3A_160, %mul3A_164] : memref<4096x128xf32, #tpu.memory_space<hbm>> -> memref<512x32xf32, #tpu.memory_space<hbm>>
      %dma_start3A_166 = tpu.memref_slice %arg7[%mul3A_160, %mul3A_164] : memref<4096x128xf32, #tpu.memory_space<hbm>> -> memref<512x32xf32, #tpu.memory_space<hbm>>
      tpu.enqueue_dma source(%arg11 : memref<512x32xf32, #tpu.memory_space<vmem>>) target(%dma_start3A_166 : memref<512x32xf32, #tpu.memory_space<hbm>>) target_semaphore(%run_scoped3A : memref<!tpu.dma_semaphore, #tpu.memory_space<semaphore_mem>>)
      %dma_wait3A_167 = tpu.memref_slice %arg7[%mul3A_160, %mul3A_164] : memref<4096x128xf32, #tpu.memory_space<hbm>> -> memref<512x32xf32, #tpu.memory_space<hbm>>
      %dma_wait3A_168 = tpu.memref_slice %arg7[%mul3A_160, %mul3A_164] : memref<4096x128xf32, #tpu.memory_space<hbm>> -> memref<512x32xf32, #tpu.memory_space<hbm>>
      tpu.wait_dma2 semaphore(%run_scoped3A : memref<!tpu.dma_semaphore, #tpu.memory_space<semaphore_mem>>) src(%arg11 : memref<512x32xf32, #tpu.memory_space<vmem>>) dst(%dma_wait3A_168 : memref<512x32xf32, #tpu.memory_space<hbm>>)
      tpu.yield
    }) : () -> ()
    return
  }
}

module attributes {stable_mosaic.version = 14 : i64} {
  func.func @_prep_body(%arg0: i32, %arg1: memref<32x1280xf32, #tpu.memory_space<vmem>>, %arg2: memref<32x1280xf32, #tpu.memory_space<vmem>>, %arg3: memref<32x1280xf32, #tpu.memory_space<vmem>>, %arg4: memref<32x1280xf32, #tpu.memory_space<vmem>>, %arg5: memref<1280x128xf32, #tpu.memory_space<vmem>>) attributes {dimension_semantics = [#tpu.dimension_semantics<arbitrary>], iteration_bounds = array<i64: 20>, scalar_prefetch = 0 : i64, scratch_operands = 0 : i64, tpu.core_type = #tpu.core_type<tc>, window_params = [{transform_indices = @transform_0, window_bounds = array<i64: 32, 1280>}, {transform_indices = @transform_1, window_bounds = array<i64: 32, 1280>}, {transform_indices = @transform_2, window_bounds = array<i64: 32, 1280>}, {transform_indices = @transform_3, window_bounds = array<i64: 32, 1280>}, {transform_indices = @transform_4, window_bounds = array<i64: 1280, 128>}]} {
    %get3A = arith.constant 0 : index
    %get3A_0 = arith.constant 0 : index
    %get3A_1 = vector.load %arg1[%get3A, %get3A_0] : memref<32x1280xf32, #tpu.memory_space<vmem>>, vector<32x1280xf32>
    %get3A_2 = arith.constant 0 : index
    %get3A_3 = arith.constant 0 : index
    %get3A_4 = vector.load %arg2[%get3A_2, %get3A_3] : memref<32x1280xf32, #tpu.memory_space<vmem>>, vector<32x1280xf32>
    %get3A_5 = arith.constant 0 : index
    %get3A_6 = arith.constant 0 : index
    %get3A_7 = vector.load %arg3[%get3A_5, %get3A_6] : memref<32x1280xf32, #tpu.memory_space<vmem>>, vector<32x1280xf32>
    %get3A_8 = arith.constant 0 : index
    %get3A_9 = arith.constant 0 : index
    %get3A_10 = vector.load %arg4[%get3A_8, %get3A_9] : memref<32x1280xf32, #tpu.memory_space<vmem>>, vector<32x1280xf32>
    %concatenate3A = tpu.concatenate %get3A_1, %get3A_4, %get3A_7, %get3A_10 in 0 : vector<32x1280xf32>, vector<32x1280xf32>, vector<32x1280xf32>, vector<32x1280xf32> -> vector<128x1280xf32>
    %transpose3A = tpu.transpose %concatenate3A, [1, 0] : vector<128x1280xf32> -> vector<1280x128xf32>
    %swap3A = arith.constant 0 : index
    %swap3A_11 = arith.constant 0 : index
    %swap3A_12 = vector.load %arg5[%swap3A, %swap3A_11] : memref<1280x128xf32, #tpu.memory_space<vmem>>, vector<1280x128xf32>
    tpu.vector_store %arg5[%swap3A, %swap3A_11], %transpose3A {strides = array<i32>} : memref<1280x128xf32, #tpu.memory_space<vmem>>, vector<1280x128xf32>,
    return
  }
  func.func @transform_0(%arg0: i32) -> (i32, i32) {
    %add3A = arith.constant 0 : i32
    %add3A_0 = arith.addi %arg0, %add3A : i32
    %min3A = arith.constant 78 : i32
    %min3A_1 = arith.minsi %add3A_0, %min3A : i32
    %c0_i32 = arith.constant 0 : i32
    %c0_i32_2 = arith.constant 0 : i32
    return %c0_i32, %min3A_1 : i32, i32
  }
  func.func @transform_1(%arg0: i32) -> (i32, i32) {
    %add3A = arith.constant 20 : i32
    %add3A_0 = arith.addi %arg0, %add3A : i32
    %min3A = arith.constant 78 : i32
    %min3A_1 = arith.minsi %add3A_0, %min3A : i32
    %c0_i32 = arith.constant 0 : i32
    %c0_i32_2 = arith.constant 0 : i32
    return %c0_i32, %min3A_1 : i32, i32
  }
  func.func @transform_2(%arg0: i32) -> (i32, i32) {
    %add3A = arith.constant 40 : i32
    %add3A_0 = arith.addi %arg0, %add3A : i32
    %min3A = arith.constant 78 : i32
    %min3A_1 = arith.minsi %add3A_0, %min3A : i32
    %c0_i32 = arith.constant 0 : i32
    %c0_i32_2 = arith.constant 0 : i32
    return %c0_i32, %min3A_1 : i32, i32
  }
  func.func @transform_3(%arg0: i32) -> (i32, i32) {
    %add3A = arith.constant 60 : i32
    %add3A_0 = arith.addi %arg0, %add3A : i32
    %min3A = arith.constant 78 : i32
    %min3A_1 = arith.minsi %add3A_0, %min3A : i32
    %c0_i32 = arith.constant 0 : i32
    %c0_i32_2 = arith.constant 0 : i32
    return %c0_i32, %min3A_1 : i32, i32
  }
  func.func @transform_4(%arg0: i32) -> (i32, i32) {
    %c0_i32 = arith.constant 0 : i32
    %c0_i32_0 = arith.constant 0 : i32
    return %arg0, %c0_i32 : i32, i32
  }
}

module attributes {stable_mosaic.version = 14 : i64} {
  func.func @_xprep_body(%arg0: i32, %arg1: memref<64x1024xf32, #tpu.memory_space<vmem>>, %arg2: memref<64x1024xf32, #tpu.memory_space<vmem>>, %arg3: memref<64x1024xf32, #tpu.memory_space<vmem>>, %arg4: memref<64x1024xf32, #tpu.memory_space<vmem>>, %arg5: memref<1024x256xf32, #tpu.memory_space<vmem>>) attributes {dimension_semantics = [#tpu.dimension_semantics<arbitrary>], iteration_bounds = array<i64: 4>, scalar_prefetch = 0 : i64, scratch_operands = 0 : i64, tpu.core_type = #tpu.core_type<tc>, window_params = [{transform_indices = @transform_0, window_bounds = array<i64: 64, 1024>}, {transform_indices = @transform_1, window_bounds = array<i64: 64, 1024>}, {transform_indices = @transform_2, window_bounds = array<i64: 64, 1024>}, {transform_indices = @transform_3, window_bounds = array<i64: 64, 1024>}, {transform_indices = @transform_4, window_bounds = array<i64: 1024, 256>}]} {
    %get3A = arith.constant 0 : index
    %get3A_0 = arith.constant 0 : index
    %get3A_1 = vector.load %arg1[%get3A, %get3A_0] : memref<64x1024xf32, #tpu.memory_space<vmem>>, vector<64x1024xf32>
    %get3A_2 = arith.constant 0 : index
    %get3A_3 = arith.constant 0 : index
    %get3A_4 = vector.load %arg2[%get3A_2, %get3A_3] : memref<64x1024xf32, #tpu.memory_space<vmem>>, vector<64x1024xf32>
    %get3A_5 = arith.constant 0 : index
    %get3A_6 = arith.constant 0 : index
    %get3A_7 = vector.load %arg3[%get3A_5, %get3A_6] : memref<64x1024xf32, #tpu.memory_space<vmem>>, vector<64x1024xf32>
    %get3A_8 = arith.constant 0 : index
    %get3A_9 = arith.constant 0 : index
    %get3A_10 = vector.load %arg4[%get3A_8, %get3A_9] : memref<64x1024xf32, #tpu.memory_space<vmem>>, vector<64x1024xf32>
    %concatenate3A = tpu.concatenate %get3A_1, %get3A_4, %get3A_7, %get3A_10 in 0 : vector<64x1024xf32>, vector<64x1024xf32>, vector<64x1024xf32>, vector<64x1024xf32> -> vector<256x1024xf32>
    %transpose3A = tpu.transpose %concatenate3A, [1, 0] : vector<256x1024xf32> -> vector<1024x256xf32>
    %swap3A = arith.constant 0 : index
    %swap3A_11 = arith.constant 0 : index
    %swap3A_12 = vector.load %arg5[%swap3A, %swap3A_11] : memref<1024x256xf32, #tpu.memory_space<vmem>>, vector<1024x256xf32>
    tpu.vector_store %arg5[%swap3A, %swap3A_11], %transpose3A {strides = array<i32>} : memref<1024x256xf32, #tpu.memory_space<vmem>>, vector<1024x256xf32>,
    return
  }
  func.func @transform_0(%arg0: i32) -> (i32, i32) {
    %add3A = arith.constant 0 : i32
    %add3A_0 = arith.addi %arg0, %add3A : i32
    %c0_i32 = arith.constant 0 : i32
    %c0_i32_1 = arith.constant 0 : i32
    return %c0_i32, %add3A_0 : i32, i32
  }
  func.func @transform_1(%arg0: i32) -> (i32, i32) {
    %add3A = arith.constant 4 : i32
    %add3A_0 = arith.addi %arg0, %add3A : i32
    %c0_i32 = arith.constant 0 : i32
    %c0_i32_1 = arith.constant 0 : i32
    return %c0_i32, %add3A_0 : i32, i32
  }
  func.func @transform_2(%arg0: i32) -> (i32, i32) {
    %add3A = arith.constant 8 : i32
    %add3A_0 = arith.addi %arg0, %add3A : i32
    %c0_i32 = arith.constant 0 : i32
    %c0_i32_1 = arith.constant 0 : i32
    return %c0_i32, %add3A_0 : i32, i32
  }
  func.func @transform_3(%arg0: i32) -> (i32, i32) {
    %add3A = arith.constant 12 : i32
    %add3A_0 = arith.addi %arg0, %add3A : i32
    %c0_i32 = arith.constant 0 : i32
    %c0_i32_1 = arith.constant 0 : i32
    return %c0_i32, %add3A_0 : i32, i32
  }
  func.func @transform_4(%arg0: i32) -> (i32, i32) {
    %c0_i32 = arith.constant 0 : i32
    %c0_i32_0 = arith.constant 0 : i32
    return %arg0, %c0_i32 : i32, i32
  }
}

module attributes {stable_mosaic.version = 14 : i64} {
  func.func @_tc_matmul_body(%arg0: i32, %arg1: memref<512x256xf32, #tpu.memory_space<vmem>>, %arg2: memref<512x128xf32, #tpu.memory_space<vmem>>, %arg3: memref<512x128xf32, #tpu.memory_space<vmem>>, %arg4: memref<256x256xf32, #tpu.memory_space<vmem>>, %arg5: memref<128x256xf32, #tpu.memory_space<vmem>>, %arg6: memref<128x256xf32, #tpu.memory_space<vmem>>, %arg7: memref<1x256xf32, #tpu.memory_space<vmem>>, %arg8: memref<256x512xf32, #tpu.memory_space<vmem>>) attributes {dimension_semantics = [#tpu.dimension_semantics<arbitrary>], iteration_bounds = array<i64: 8>, scalar_prefetch = 0 : i64, scratch_operands = 0 : i64, tpu.core_type = #tpu.core_type<tc>, window_params = [{transform_indices = @transform_0, window_bounds = array<i64: 512, 256>}, {transform_indices = @transform_1, window_bounds = array<i64: 512, 128>}, {transform_indices = @transform_2, window_bounds = array<i64: 512, 128>}, {pipeline_mode = #tpu.pipeline_mode<synchronous>, transform_indices = @transform_3, window_bounds = array<i64: 256, 256>}, {pipeline_mode = #tpu.pipeline_mode<synchronous>, transform_indices = @transform_4, window_bounds = array<i64: 128, 256>}, {pipeline_mode = #tpu.pipeline_mode<synchronous>, transform_indices = @transform_5, window_bounds = array<i64: 128, 256>}, {pipeline_mode = #tpu.pipeline_mode<synchronous>, transform_indices = @transform_6, window_bounds = array<i64: 1, 256>}, {transform_indices = @transform_7, window_bounds = array<i64: 256, 512>}]} {
    %get3A = arith.constant 0 : index
    %get3A_0 = arith.constant 0 : index
    %get3A_1 = vector.load %arg1[%get3A, %get3A_0] : memref<512x256xf32, #tpu.memory_space<vmem>>, vector<512x256xf32>
    %get3A_2 = arith.constant 0 : index
    %get3A_3 = arith.constant 0 : index
    %get3A_4 = vector.load %arg4[%get3A_2, %get3A_3] : memref<256x256xf32, #tpu.memory_space<vmem>>, vector<256x256xf32>
    %dot_general3A = arith.constant dense<0.000000e+00> : vector<512x256xf32>
    %dot_general3A_5 = tpu.matmul %get3A_1, %get3A_4, %dot_general3A {dimension_numbers = #tpu.dot_dimension_numbers<[1], [0], [0], [1], [0, 0, 1, 1], [], []>, transpose_lhs_hint = false} : vector<512x256xf32>, vector<256x256xf32>, vector<512x256xf32> -> vector<512x256xf32>
    %get3A_6 = arith.constant 0 : index
    %get3A_7 = arith.constant 0 : index
    %get3A_8 = vector.load %arg2[%get3A_6, %get3A_7] : memref<512x128xf32, #tpu.memory_space<vmem>>, vector<512x128xf32>
    %get3A_9 = arith.constant 0 : index
    %get3A_10 = arith.constant 0 : index
    %get3A_11 = vector.load %arg5[%get3A_9, %get3A_10] : memref<128x256xf32, #tpu.memory_space<vmem>>, vector<128x256xf32>
    %dot_general3A_12 = arith.constant dense<0.000000e+00> : vector<512x256xf32>
    %dot_general3A_13 = tpu.matmul %get3A_8, %get3A_11, %dot_general3A_12 {dimension_numbers = #tpu.dot_dimension_numbers<[1], [0], [0], [1], [0, 0, 1, 1], [], []>, transpose_lhs_hint = false} : vector<512x128xf32>, vector<128x256xf32>, vector<512x256xf32> -> vector<512x256xf32>
    %add3A = arith.addf %dot_general3A_5, %dot_general3A_13 : vector<512x256xf32>
    %get3A_14 = arith.constant 0 : index
    %get3A_15 = arith.constant 0 : index
    %get3A_16 = vector.load %arg3[%get3A_14, %get3A_15] : memref<512x128xf32, #tpu.memory_space<vmem>>, vector<512x128xf32>
    %get3A_17 = arith.constant 0 : index
    %get3A_18 = arith.constant 0 : index
    %get3A_19 = vector.load %arg6[%get3A_17, %get3A_18] : memref<128x256xf32, #tpu.memory_space<vmem>>, vector<128x256xf32>
    %dot_general3A_20 = arith.constant dense<0.000000e+00> : vector<512x256xf32>
    %dot_general3A_21 = tpu.matmul %get3A_16, %get3A_19, %dot_general3A_20 {dimension_numbers = #tpu.dot_dimension_numbers<[1], [0], [0], [1], [0, 0, 1, 1], [], []>, transpose_lhs_hint = false} : vector<512x128xf32>, vector<128x256xf32>, vector<512x256xf32> -> vector<512x256xf32>
    %add3A_22 = arith.addf %add3A, %dot_general3A_21 : vector<512x256xf32>
    %get3A_23 = arith.constant 0 : index
    %get3A_24 = arith.constant 0 : index
    %get3A_25 = vector.load %arg7[%get3A_23, %get3A_24] : memref<1x256xf32, #tpu.memory_space<vmem>>, vector<1x256xf32>
    %add3A_26 = vector.broadcast %get3A_25 : vector<1x256xf32> to vector<512x256xf32>
    %add3A_27 = arith.addf %add3A_22, %add3A_26 : vector<512x256xf32>
    %transpose3A = tpu.transpose %add3A_27, [1, 0] : vector<512x256xf32> -> vector<256x512xf32>
    %swap3A = arith.constant 0 : index
    %swap3A_28 = arith.constant 0 : index
    %swap3A_29 = vector.load %arg8[%swap3A, %swap3A_28] : memref<256x512xf32, #tpu.memory_space<vmem>>, vector<256x512xf32>
    tpu.vector_store %arg8[%swap3A, %swap3A_28], %transpose3A {strides = array<i32>} : memref<256x512xf32, #tpu.memory_space<vmem>>, vector<256x512xf32>,
    return
  }
  func.func @transform_0(%arg0: i32) -> (i32, i32) {
    %c0_i32 = arith.constant 0 : i32
    %c0_i32_0 = arith.constant 0 : i32
    return %arg0, %c0_i32 : i32, i32
  }
  func.func @transform_1(%arg0: i32) -> (i32, i32) {
    %c0_i32 = arith.constant 0 : i32
    %c0_i32_0 = arith.constant 0 : i32
    return %arg0, %c0_i32 : i32, i32
  }
  func.func @transform_2(%arg0: i32) -> (i32, i32) {
    %c0_i32 = arith.constant 0 : i32
    %c0_i32_0 = arith.constant 0 : i32
    return %arg0, %c0_i32 : i32, i32
  }
  func.func @transform_3(%arg0: i32) -> (i32, i32) {
    %c0_i32 = arith.constant 0 : i32
    %c0_i32_0 = arith.constant 0 : i32
    %c0_i32_1 = arith.constant 0 : i32
    return %c0_i32, %c0_i32_0 : i32, i32
  }
  func.func @transform_4(%arg0: i32) -> (i32, i32) {
    %c0_i32 = arith.constant 0 : i32
    %c0_i32_0 = arith.constant 0 : i32
    %c0_i32_1 = arith.constant 0 : i32
    return %c0_i32, %c0_i32_0 : i32, i32
  }
  func.func @transform_5(%arg0: i32) -> (i32, i32) {
    %c0_i32 = arith.constant 0 : i32
    %c0_i32_0 = arith.constant 0 : i32
    %c0_i32_1 = arith.constant 0 : i32
    return %c0_i32, %c0_i32_0 : i32, i32
  }
  func.func @transform_6(%arg0: i32) -> (i32, i32) {
    %c0_i32 = arith.constant 0 : i32
    %c0_i32_0 = arith.constant 0 : i32
    %c0_i32_1 = arith.constant 0 : i32
    return %c0_i32, %c0_i32_0 : i32, i32
  }
  func.func @transform_7(%arg0: i32) -> (i32, i32) {
    %c0_i32 = arith.constant 0 : i32
    %c0_i32_0 = arith.constant 0 : i32
    return %c0_i32, %arg0 : i32, i32
  }
}

</mosaic_0001>

<sc_bundles>
// kernel: kernel.6.cloned.1.call-start
scs
__scs_entry_jumppad:
0x0: {  	(pc) =	sbr.rel $0x88, $3  }
0x1: {  	(tag) =	ssettag $0x0;
	lr =	simm.s32 $0x1  }
0x2: {  	[smem:$0x3F9A] =	sst lr;
	_ =	strace $0xD0000000  }
0x3: {  	_ = 	snop  }
0x4: {  	_ = 	snop  }
0x5: {  	_ = 	snop  }
0x6: {  	_ = 	snop  }
0x7: {  	_ = 	snop  }
__scs_overlays_trampoline_lowered:
0x8: {  	[smem:$0x3FA9] =	sst s0  }
0x9: {  	[smem:$0x3FAA] =	sst s1  }
0xa: {  	[smem:$0x3FAB] =	sst s2  }
0xb: {  	[smem:$0x3FAC] =	sst s3  }
0xc: {  	[smem:$0x3FAD] =	sst s4  }
0xd: {  	[smem:$0x3FAE] =	sst s5  }
0xe: {  	[smem:$0x3FAF] =	sst s6  }
0xf: {  	[smem:$0x3FB0] =	sst s7  }
0x10: {  	[smem:$0x3FB1] =	sst s8  }
0x11: {  	[smem:$0x3FB2] =	sst s9;
	s0 =	simm.s32 @!p0 $0x0  }
0x12: {  	s1 =	sld [smem:$0x3F98];
	s0 =	simm.s32 @p0 $0x1  }
0x13: {  	[smem:$0x3FB3] =	sst s0;
	s0 =	simm.s32 @!p1 $0x0  }
0x14: {  	s2 =	sld [smem:$0x3F97];
	s0 =	simm.s32 @p1 $0x1  }
0x15: {  	[smem:$0x3FB4] =	sst s0;
	s0 =	simm.s32 @!p2 $0x0  }
0x16: {  	s3 =	sld [smem:$0x3FDB];
	s0 =	simm.s32 @p2 $0x1  }
0x17: {  	s4 =	simm.s32 $0x1BF5;
	[smem:$0x3FB6] =	sst s0  }
0x18: {  	s0 =	sld [smem:$0x3F99];
	_ =	swait.ge [sflag:s4], $0x0  }
0x19: {  	s7 =	sld [smem:$0x3F9A]  }
0x1a: {  	s8 =	sadd.s32 $0xFFFFE003, lr  }
0x1b: {  	s9 =	sadd.s32 $0xFFFFFEF7, lr;
	s5 =	simm.s32 $0xFFFFFFFF;
	p2 =	slt.u32 s8, $0xFFFFF086  }
0x1c: {  	p1 =	slt.u32 s9, $0xF7A;
	s5 =	simm.s32 @!p2 $0x0  }
0x1d: {  	s5 =	simm.s32 @p1 $0x1;
	p0 =	seq.s32 s7, s2  }
0x1e: {  	s7 =	smul.u32 @!p0 $0xF7A, s2;
	p2 =	seq.s32 @!p0 s5, $0x0  }
0x1f: {  	s9 =	smul.u32 $0xF7A, s1;
	s8 =	simm.s32 @!p0 $0x1BF5;
	p2 =	por !p2, p0  }
0x20: {  	[sflag:s8] =	ssyncset.s32 @!p0 $0xFFFFF086;
	s6 =	sadd.s32 @!p0 s3, s7;
	s7 =	simm.s32 @!p0 $0x108  }
0x21: {  	s3 =	sadd.s32 s3, s9;
	s6 =	sadd.s32 @!p0 $0x88, s6;
	s7 =	simm.s32 @p2 $0x1082  }
0x22: {  	[simem:s7], [sflag:s8] =	dma.local @!p0 [hbm:s6], $0xF7A  }
0x23: {  	s9 =	sor.u32 $0xD0000000, s2;
	s6 =	simm.s32 $0x108;
	_ =	swait.ge @!p0 [sflag:s8], $0x0  }
0x24: {  	s3 =	sadd.s32 $0x88, s3;
	s6 =	simm.s32 @!p1 $0x1082;
	[sflag:s4] =	ssyncset.s32 $0xFFFFF086  }
0x25: {  	[simem:s6], [sflag:s4] =	dma.local [hbm:s3], $0xF7A  }
0x26: {  	[smem:$0x3F9A] =	sst s1;
	(tag) =	ssettag s2;
	_ =	strace s9  }
0x27: {  	s1 =	sld [smem:$0x3FAA]  }
0x28: {  	s2 =	sld [smem:$0x3FAB]  }
0x29: {  	s4 =	sld [smem:$0x3FAD]  }
0x2a: {  	p0 =	seq.s32 s5, $0x0;
	s5 =	sld [smem:$0x3FAE]  }
0x2b: {  	s6 =	sld [smem:$0x3FAF]  }
0x2c: {  	s7 =	sld [smem:$0x3FB0]  }
0x2d: {  	s3 =	simm.s32 $0x108;
	s8 =	sld [smem:$0x3FB1]  }
0x2e: {  	s3 =	simm.s32 @!p0 $0x1082;
	s9 =	sld [smem:$0x3FB2]  }
0x2f: {  	lr =	sadd.s32 s0, s3;
	s0 =	sld [smem:$0x3FA9]  }
0x30: {  	s3 =	sld [smem:$0x3FAC]  }
0x31: {  	[smem:$0x3FB5] =	sst s10  }
0x32: {  	s10 =	sld [smem:$0x3FB3];
	_ =	sdelay $0x3  }
0x33: {  	p0 =	seq.s32 s10, $0x1;
	s10 =	sld [smem:$0x3FB5];
	_ =	sdelay $0x3  }
0x34: {  	[smem:$0x3FB5] =	sst s10  }
0x35: {  	s10 =	sld [smem:$0x3FB4];
	_ =	sdelay $0x3  }
0x36: {  	p1 =	seq.s32 s10, $0x1;
	s10 =	sld [smem:$0x3FB5];
	_ =	sdelay $0x3  }
0x37: {  	[smem:$0x3FB5] =	sst s10  }
0x38: {  	s10 =	sld [smem:$0x3FB6]  }
0x39: {  	_ = 	snop;
	(pc) =	sbr.ind lr, $3  }
0x3a: {  	_ = 	snop  }
0x3b: {  	_ = 	snop  }
0x3c: {  	p2 =	seq.s32 s10, $0x1;
	s10 =	sld [smem:$0x3FB5]  }
0x3d: {  	_ =	shalt  }
0x3e: {  	_ =	shalt  }
0x3f: {  	_ =	shalt  }
0x40: {  	_ =	shalt  }
0x41: {  	_ =	shalt  }
0x42: {  	_ =	shalt  }
0x43: {  	_ =	shalt  }
0x44: {  	_ =	shalt  }
0x45: {  	_ =	shalt  }
0x46: {  	_ =	shalt  }
0x47: {  	_ =	shalt  }
0x48: {  	_ =	shalt  }
0x49: {  	_ =	shalt  }
0x4a: {  	_ =	shalt  }
0x4b: {  	_ =	shalt  }
0x4c: {  	_ =	shalt  }
0x4d: {  	_ =	shalt  }
0x4e: {  	_ =	shalt  }
0x4f: {  	_ =	shalt  }
0x50: {  	_ =	shalt  }
0x51: {  	_ =	shalt  }
0x52: {  	_ =	shalt  }
0x53: {  	_ =	shalt  }
0x54: {  	_ =	shalt  }
0x55: {  	_ =	shalt  }
0x56: {  	_ =	shalt  }
0x57: {  	_ =	shalt  }
0x58: {  	_ =	shalt  }
0x59: {  	_ =	shalt  }
0x5a: {  	_ =	shalt  }
0x5b: {  	_ =	shalt  }
0x5c: {  	_ =	shalt  }
0x5d: {  	_ =	shalt  }
0x5e: {  	_ =	shalt  }
0x5f: {  	_ =	shalt  }
0x60: {  	_ =	shalt  }
0x61: {  	_ =	shalt  }
0x62: {  	_ =	shalt  }
0x63: {  	_ =	shalt  }
0x64: {  	_ =	shalt  }
0x65: {  	_ =	shalt  }
0x66: {  	_ =	shalt  }
0x67: {  	_ =	shalt  }
0x68: {  	_ =	shalt  }
0x69: {  	_ =	shalt  }
0x6a: {  	_ =	shalt  }
0x6b: {  	_ =	shalt  }
0x6c: {  	_ =	shalt  }
0x6d: {  	_ =	shalt  }
0x6e: {  	_ =	shalt  }
0x6f: {  	_ =	shalt  }
0x70: {  	_ =	shalt  }
0x71: {  	_ =	shalt  }
0x72: {  	_ =	shalt  }
0x73: {  	_ =	shalt  }
0x74: {  	_ =	shalt  }
0x75: {  	_ =	shalt  }
0x76: {  	_ =	shalt  }
0x77: {  	_ =	shalt  }
0x78: {  	_ =	shalt  }
0x79: {  	_ =	shalt  }
0x7a: {  	_ =	shalt  }
0x7b: {  	_ =	shalt  }
0x7c: {  	_ =	shalt  }
0x7d: {  	_ =	shalt  }
0x7e: {  	_ =	shalt  }
0x7f: {  	_ =	shalt  }
0x80: {  	_ =	shalt  }
0x81: {  	_ =	shalt  }
0x82: {  	_ =	shalt  }
0x83: {  	_ =	shalt  }
0x84: {  	_ =	shalt  }
0x85: {  	_ =	shalt  }
0x86: {  	_ =	shalt  }
0x87: {  	_ =	shalt  }
.Lfunc_end0:
.L_simem_size_0:
called_computation_lowered:
.L_overlay_start_0:
0x88: {  	s2 =	sld [smem:$0x3FD9]  }
0x89: {  	s3 =	sld [smem:$0x3FFE];
	_ =	sdelay $0x1  }
0x8a: {  	s1 =	srdreg.scid  }
0x8b: {  	s0 =	sand.u32 $0x1, s1  }
0x8c: {  	s17 =	sshll.u32 s0, $0xA;
	s2 =	sadd.s32 s3, s2  }
0x8d: {  	s2 =	sadd.s32 s2, s17  }
0x8e: {  	[smem:$0x3FC1] =	sst s2  }
0x8f: {  	_ = 	snop  }
0x90: {  	s2 =	sld [smem:$0x3FC7]  }
0x91: {  	s18 =	sld [smem:$0x3FD0];
	(tm) =	ssettm $0x1  }
0x92: {  	s4 =	sld [smem:$0x3FFB];
	_ =	sdelay $0x3  }
0x93: {  	_ =	strace s4  }
0x94: {  	s4 =	sld [smem:$0x3FFC];
	_ =	sdelay $0x3  }
0x95: {  	_ =	strace s4  }
0x96: {  	s4 =	sld [smem:$0x3FFD];
	_ =	sdelay $0x3  }
0x97: {  	_ =	strace s4  }
0x98: {  	_ =	strace $0x8FFFFFFF  }
0x99: {  	s19 =	sld [smem:$0x3FDB];
	_ =	sdelay $0x1  }
0x9a: {  	s5 =	simm.s32 $_scs_section_size  }
0x9b: {  	s6 =	simm.s32 $_size__tile_overlayer_lowered;
	s7 =	simm.s32 $_tile_overlayer_lowered  }
0x9c: {  	s22 =	simm.s32 $0x1BFF;
	s21 =	sshll.u32 s7, $0x1;
	s4 =	sadd.s32 s5, s19  }
0x9d: {  	s8 =	simm.s32 $0x0;
	s20 =	sshll.u32 s6, $0x1;
	s6 =	sadd.s32 s21, s4  }
0x9e: {  	[timem:s8], [sflag:s22] =	dma.local [hbm:s6], s20  }
0x9f: {  	_ =	swait.ge [sflag:s22], s20  }
0xa0: {  	s5 =	ssub.s32 $0x0, s20;
	[sflag:s22] =	ssyncset.done $0x0  }
0xa1: {  	[sflag:s22] =	ssyncadd.s32 s5;
	_ =	sdelay $0x1  }
0xa2: {  	s23 =	simm.s32 $0x1B8B  }
0xa3: {  	_ =	swait.ge [sflag:s23], $0x1  }
0xa4: {  	[sflag:s23] =	ssyncset.done $0x0  }
0xa5: {  	s25 =	simm.s32 $0x1B8E;
	s24 =	sld [smem:$0x3FFE];
	[sflag:s23] =	ssyncadd.s32 $0xFFFFFFFF  }
0xa6: {  	s26 =	simm.s32 $execute0_lowered;
	[smem:$0x3FD2] =	sst s25  }
0xa7: {  	s6 =	sshll.u32 s26, $0x1;
	_ =	strace $0x80000046;
	[dreg:$0x1] =	wrdreg $0xFFFFFFFF  }
0xa8: {  	s28 =	simm.s32 $_size_execute0_lowered;
	s4 =	sadd.s32 s4, s6;
	[dreg:$0x0] =	wrdreg $0x0  }
0xa9: {  	s6 =	sshll.u32 s28, $0x1;
	[dreg:$0x2] =	wrdreg s4  }
0xaa: {  	[dreg:$0x3] =	wrdreg s6  }
0xab: {  	[dreg:$0x4] =	wrdreg $0xC0  }
0xac: {  	_ =	task [dreg:s8], $0x5FFFF  }
0xad: {  	[dreg:$0x1] =	wrdreg $0xFFFFFFFF  }
0xae: {  	[dreg:$0x0] =	wrdreg $0x60  }
0xaf: {  	[dreg:$0x2] =	wrdreg s24  }
0xb0: {  	[dreg:$0x3] =	wrdreg s2  }
0xb1: {  	[dreg:$0x4] =	wrdreg s18  }
0xb2: {  	[dreg:$0x5] =	wrdreg $0x9  }
0xb3: {  	_ =	task.clear_ibuf [dreg:s8], $0x6FFFF;
	_ =	strace $0x90000046  }
0xb4: {  	s29 =	simm.s32 $0x9;
	_ =	strace $0x80000048  }
0xb5: {  	_ =	swait.ge [sflag:s29], $0x1  }
0xb6: {  	[sflag:s29] =	ssyncadd.s32 $0xFFFFFFFF  }
0xb7: {  	_ =	strace $0x90000048  }
0xb8: {  	_ =	sfence  }
0xb9: {  	s30 =	sld [smem:$0x0];
	_ =	sdelay $0x2  }
0xba: {  	s31 =	sshll.u32 s1, $0xD;
	s1 =	sshrl.u32 s1, $0x2  }
0xbb: {  	s3 =	sand.u32 $0x4000, s31;
	s1 =	sadd.s32 s1, s30  }
0xbc: {  	s0 =	sor.u32 s3, s0;
	s1 =	sshll.u32 s1, $0x11  }
0xbd: {  	s0 =	sor.u32 s1, s0  }
0xbe: {  	s0 =	sadd.s32 $0x8F2B, s0  }
0xbf: {  	[sflag:s0] =	ssyncadd.remote.s32 $0x1  }
0xc0: {  	_ =	sfence.sel $0xFFFF  }
0xc1: {  	[dreg:$0x0] =	wrdreg $0xFFFFFFFF;
	(pc) =	sbr.abs _section_cstart, $3  }
0xc2: {  	[dreg:$0x1] =	wrdreg $0xFFFFFFFF  }
0xc3: {  	_ =	task.clear_ibuf [dreg:s8], $0x2FFFF;
	_ =	strace $0x9FFFFFFF  }
0xc4: {  	(tm) =	ssettm $0x7FFFFFFF  }
0xc5: {  	_ =	shalt  }
tec
execute0_lowered:
.L_overlay_start_1:
0x0: {  	(tag) =	ssettag $0x1  }
0x1: {  	s28 =	rddreg [dreg:$0x0]  }
0x2: {  	s1 =	srdreg.scid;
	s0 =	stileid.u32  }
0x3: {  	s5 =	rddreg [dreg:$0x1];
	s26 =	sand.u32 $0x1, s1;
	s31 =	sshll.u32 s0, $0x1  }
0x4: {  	s25 =	rddreg [dreg:$0x2];
	s29 =	sor.u32 s26, s31  }
0x5: {  	s2 =	simm.s32 $0x0;
	s1 =	rddreg [dreg:$0x3];
	s6 =	sshll.u32 s29, $0x6  }
0x6: {  	[smem:$0x7FF] =	sst s2;
	s3 =	sadd.s32 s6, s28  }
0x7: {  	_ =	strace $0x80000047;
	s4 =	sadd.s32 $0x66C00, s3;
	s3 =	simm.s32 $0x3  }
0x8: {  	[tilespmem:s2], [sflag:$0x3] =	stream.linear.gather [hbm4b:s4+s2], $0x200, $0x38;
	[tilespmem:$0x8400] =	vst v63  }
0x9: {  	_ =	swait.ge [sflag:s3], $0x200  }
0xa: {  	[sflag:s3] =	ssyncset.done $0x0  }
0xb: {  	s5 =	sadd.s32 s5, s6;
	s6 =	simm.s32 $0x200;
	[sflag:s3] =	ssyncadd.s32 $0xFFFFFE00  }
0xc: {  	[tilespmem:s6], [sflag:$0x3] =	stream.linear.gather [hbm4b:s5+s2], $0x200, $0x38;
	[tilespmem:$0x8400] =	vst v63  }
0xd: {  	_ =	swait.ge [sflag:s3], $0x200  }
0xe: {  	s8 =	simm.s32 $0x80;
	[sflag:s3] =	ssyncset.done $0x0  }
0xf: {  	s9 =	simm.s32 $0x400;
	s7 =	sadd.s32 $0x1C00, s28;
	[sflag:s3] =	ssyncadd.s32 $0xFFFFFE00  }
0x10: {  	[tilespmem:s9], [sflag:$0x1] =	stream.indirect.gather [hbm4b:s7+s8], $0x20, s2, s8, $0xb8;
	[tilespmem:$0x8400] =	vst v63  }
0x11: {  	s11 =	simm.s32 $0x4400;
	s10 =	sadd.s32 $0x65C00, s28  }
0x12: {  	[tilespmem:s11], [sflag:$0x2] =	stream.indirect.gather [hbm4b:s10+s8], $0x20, s6, s8, $0xb8;
	[tilespmem:$0x8400] =	vst v63  }
0x13: {  	s12 =	simm.s32 $0x1400  }
0x14: {  	[tilespmem:s12], [sflag:$0x1] =	stream.indirect.gather [hbm4b:s7+s8], $0x20, s8, s8, $0xb8;
	[tilespmem:$0x8400] =	vst v63  }
0x15: {  	s13 =	simm.s32 $0x280;
	s14 =	simm.s32 $0x5400  }
0x16: {  	[tilespmem:s14], [sflag:$0x2] =	stream.indirect.gather [hbm4b:s10+s8], $0x20, s13, s8, $0xb8;
	[tilespmem:$0x8400] =	vst v63  }
0x17: {  	s15 =	simm.s32 $0x100;
	s16 =	simm.s32 $0x2400  }
0x18: {  	[tilespmem:s16], [sflag:$0x1] =	stream.indirect.gather [hbm4b:s7+s8], $0x20, s15, s8, $0xb8;
	[tilespmem:$0x8400] =	vst v63  }
0x19: {  	s17 =	simm.s32 $0x300;
	s18 =	simm.s32 $0x6400  }
0x1a: {  	[tilespmem:s18], [sflag:$0x2] =	stream.indirect.gather [hbm4b:s10+s8], $0x20, s17, s8, $0xb8;
	[tilespmem:$0x8400] =	vst v63  }
0x1b: {  	s19 =	simm.s32 $0x180;
	s20 =	simm.s32 $0x3400  }
0x1c: {  	[tilespmem:s20], [sflag:$0x1] =	stream.indirect.gather [hbm4b:s7+s8], $0x20, s19, s8, $0xb8;
	[tilespmem:$0x8400] =	vst v63  }
0x1d: {  	s21 =	simm.s32 $0x380;
	s22 =	simm.s32 $0x7400;
	s23 =	simm.s32 $0x1  }
0x1e: {  	[tilespmem:s22], [sflag:$0x2] =	stream.indirect.gather [hbm4b:s10+s8], $0x20, s21, s8, $0xb8;
	[tilespmem:$0x8400] =	vst v63  }
0x1f: {  	_ =	swait.ge [sflag:s23], $0x1000  }
0x20: {  	[sflag:s23] =	ssyncset.done $0x0  }
0x21: {  	s24 =	simm.s32 $0x2;
	[sflag:s23] =	ssyncadd.s32 $0xFFFFF000  }
0x22: {  	_ =	swait.ge [sflag:s24], $0x1000  }
0x23: {  	[sflag:s24] =	ssyncset.done $0x0  }
0x24: {  	[sflag:s24] =	ssyncadd.s32 $0xFFFFF000  }
0x25: {  	_ =	swait.ge [sflag:s23], $0x1000  }
0x26: {  	[sflag:s23] =	ssyncset.done $0x0  }
0x27: {  	[sflag:s23] =	ssyncadd.s32 $0xFFFFF000  }
0x28: {  	_ =	swait.ge [sflag:s24], $0x1000  }
0x29: {  	[sflag:s24] =	ssyncset.done $0x0  }
0x2a: {  	[sflag:s24] =	ssyncadd.s32 $0xFFFFF000  }
0x2b: {  	_ =	swait.ge [sflag:s23], $0x1000  }
0x2c: {  	[sflag:s23] =	ssyncset.done $0x0  }
0x2d: {  	[sflag:s23] =	ssyncadd.s32 $0xFFFFF000  }
0x2e: {  	_ =	swait.ge [sflag:s24], $0x1000  }
0x2f: {  	[sflag:s24] =	ssyncset.done $0x0  }
0x30: {  	[sflag:s24] =	ssyncadd.s32 $0xFFFFF000  }
0x31: {  	s29 =	sshll.u32 s29, $0xD;
	_ =	swait.ge [sflag:s23], $0x1000  }
0x32: {  	s29 =	sor.u32 s0, s29;
	[sflag:s23] =	ssyncset.done $0x0  }
0x33: {  	s30 =	ssub.s32 $0x2, s26;
	s29 =	sand.u32 $0xE00C, s29;
	[sflag:s23] =	ssyncadd.s32 $0xFFFFF000  }
0x34: {  	s31 =	sshrl.u32 s30, $0x1;
	s25 =	sadd.s32 s25, s29;
	_ =	swait.ge [sflag:s24], $0x1000  }
0x35: {  	s28 =	sadd.s32 s29, s28;
	s29 =	ssub.s32 s30, s31;
	[sflag:s24] =	ssyncset.done $0x0  }
0x36: {  	s26 =	simm.s32 $0x20;
	s29 =	smax.u32 s29, $0x1;
	[sflag:s24] =	ssyncadd.s32 $0xFFFFF000  }
0x37: {  	[hbm4b:s25+s26] =	stream.strided.scatter [tilespmem:s9], [sflag:$0x3], $0x4000, s8, s26, $0x38;
	[tilespmem:$0x8400] =	vst v63  }
0x38: {  	p0 =	sne.s32 s29, $0x1;
	_ =	swait.ge [sflag:s3], $0x4000  }
.Ltmp0:
0x39: {  	[sflag:s3] =	ssyncset.done $0x0;
	(pc) =	sbr.rel @!p0 .LBB2_2-.Ltmp0, $4  }
0x3a: {  	s28 =	sadd.s32 $0x67400, s28;
	[sflag:s3] =	ssyncadd.s32 $0xFFFFC000  }
0x3b: {  	[hbm4b:s28+s26] =	stream.strided.scatter [tilespmem:s11], [sflag:$0x3], $0x4000, s8, s26, $0x38;
	[tilespmem:$0x8400] =	vst v63  }
0x3c: {  	_ =	swait.ge [sflag:s3], $0x4000  }
0x3d: {  	s29 =	sadd.s32 $0xFFFFFFFF, s29;
	[sflag:s3] =	ssyncset.done $0x0  }
.LBB2_1:
0x3e: {  	p0 =	sne.s32 s29, $0x1;
	s29 =	sadd.s32 $0xFFFFFFFF, s29;
	[sflag:s3] =	ssyncadd.s32 $0xFFFFC000  }
0x3f: {  	[tilespmem:s2], [sflag:$0x3] =	stream.linear.gather [hbm4b:s4+s2], $0x200, $0x38;
	[tilespmem:$0x8400] =	vst v63  }
0x40: {  	_ =	swait.ge [sflag:s3], $0x200  }
0x41: {  	[sflag:s3] =	ssyncset.done $0x0  }
0x42: {  	[sflag:s3] =	ssyncadd.s32 $0xFFFFFE00  }
0x43: {  	[tilespmem:s6], [sflag:$0x3] =	stream.linear.gather [hbm4b:s5+s2], $0x200, $0x38;
	[tilespmem:$0x8400] =	vst v63  }
0x44: {  	_ =	swait.ge [sflag:s3], $0x200  }
0x45: {  	[sflag:s3] =	ssyncset.done $0x0  }
0x46: {  	[sflag:s3] =	ssyncadd.s32 $0xFFFFFE00  }
0x47: {  	[tilespmem:s9], [sflag:$0x1] =	stream.indirect.gather [hbm4b:s7+s8], $0x20, s2, s8, $0xb8;
	[tilespmem:$0x8400] =	vst v63  }
0x48: {  	_ = 	snop  }
0x49: {  	[tilespmem:s11], [sflag:$0x2] =	stream.indirect.gather [hbm4b:s10+s8], $0x20, s6, s8, $0xb8;
	[tilespmem:$0x8400] =	vst v63  }
0x4a: {  	_ = 	snop  }
0x4b: {  	[tilespmem:s12], [sflag:$0x1] =	stream.indirect.gather [hbm4b:s7+s8], $0x20, s8, s8, $0xb8;
	[tilespmem:$0x8400] =	vst v63  }
0x4c: {  	_ = 	snop  }
0x4d: {  	[tilespmem:s14], [sflag:$0x2] =	stream.indirect.gather [hbm4b:s10+s8], $0x20, s13, s8, $0xb8;
	[tilespmem:$0x8400] =	vst v63  }
0x4e: {  	_ = 	snop  }
0x4f: {  	[tilespmem:s16], [sflag:$0x1] =	stream.indirect.gather [hbm4b:s7+s8], $0x20, s15, s8, $0xb8;
	[tilespmem:$0x8400] =	vst v63  }
0x50: {  	_ = 	snop  }
0x51: {  	[tilespmem:s18], [sflag:$0x2] =	stream.indirect.gather [hbm4b:s10+s8], $0x20, s17, s8, $0xb8;
	[tilespmem:$0x8400] =	vst v63  }
0x52: {  	_ = 	snop  }
0x53: {  	[tilespmem:s20], [sflag:$0x1] =	stream.indirect.gather [hbm4b:s7+s8], $0x20, s19, s8, $0xb8;
	[tilespmem:$0x8400] =	vst v63  }
0x54: {  	_ = 	snop  }
0x55: {  	[tilespmem:s22], [sflag:$0x2] =	stream.indirect.gather [hbm4b:s10+s8], $0x20, s21, s8, $0xb8;
	[tilespmem:$0x8400] =	vst v63  }
0x56: {  	_ =	swait.ge [sflag:s23], $0x1000  }
0x57: {  	[sflag:s23] =	ssyncset.done $0x0  }
0x58: {  	[sflag:s23] =	ssyncadd.s32 $0xFFFFF000  }
0x59: {  	_ =	swait.ge [sflag:s24], $0x1000  }
0x5a: {  	[sflag:s24] =	ssyncset.done $0x0  }
0x5b: {  	[sflag:s24] =	ssyncadd.s32 $0xFFFFF000  }
0x5c: {  	_ =	swait.ge [sflag:s23], $0x1000  }
0x5d: {  	[sflag:s23] =	ssyncset.done $0x0  }
0x5e: {  	[sflag:s23] =	ssyncadd.s32 $0xFFFFF000  }
0x5f: {  	_ =	swait.ge [sflag:s24], $0x1000  }
0x60: {  	[sflag:s24] =	ssyncset.done $0x0  }
0x61: {  	[sflag:s24] =	ssyncadd.s32 $0xFFFFF000  }
0x62: {  	_ =	swait.ge [sflag:s23], $0x1000  }
0x63: {  	[sflag:s23] =	ssyncset.done $0x0  }
0x64: {  	[sflag:s23] =	ssyncadd.s32 $0xFFFFF000  }
0x65: {  	_ =	swait.ge [sflag:s24], $0x1000  }
0x66: {  	[sflag:s24] =	ssyncset.done $0x0  }
0x67: {  	[sflag:s24] =	ssyncadd.s32 $0xFFFFF000  }
0x68: {  	_ =	swait.ge [sflag:s23], $0x1000  }
0x69: {  	[sflag:s23] =	ssyncset.done $0x0  }
0x6a: {  	[sflag:s23] =	ssyncadd.s32 $0xFFFFF000  }
0x6b: {  	_ =	swait.ge [sflag:s24], $0x1000  }
0x6c: {  	[sflag:s24] =	ssyncset.done $0x0  }
0x6d: {  	[sflag:s24] =	ssyncadd.s32 $0xFFFFF000  }
0x6e: {  	[hbm4b:s25+s26] =	stream.strided.scatter [tilespmem:s9], [sflag:$0x3], $0x4000, s8, s26, $0x38;
	[tilespmem:$0x8400] =	vst v63  }
0x6f: {  	_ =	swait.ge [sflag:s3], $0x4000  }
.Ltmp1:
0x70: {  	[sflag:s3] =	ssyncset.done $0x0;
	(pc) =	sbr.rel @p0 .LBB2_1-.Ltmp1, $4  }
0x71: {  	[sflag:s3] =	ssyncadd.s32 $0xFFFFC000  }
0x72: {  	[hbm4b:s28+s26] =	stream.strided.scatter [tilespmem:s11], [sflag:$0x3], $0x4000, s8, s26, $0x38;
	[tilespmem:$0x8400] =	vst v63  }
0x73: {  	_ =	swait.ge [sflag:s3], $0x4000  }
0x74: {  	[sflag:s3] =	ssyncset.done $0x0  }
.LBB2_2:
0x75: {  	[sflag:s3] =	ssyncadd.s32 $0xFFFFC000  }
0x76: {  	_ =	sfence.sel $0x180000  }
0x77: {  	[bflag:$0x0] =	sbarrier.arrive $0xFFFF  }
0x78: {  	p0 =	sne.s32 s0, $0x0;
	_ =	strace $0x90000047  }
0x79: {  	s0 =	sadd.s32 @!p0 $0x100000, s1;
	[bflag:$0x2] =	sbarrier.arrive $0xFFFF  }
0x7a: {  	[sflag:s0] =	ssyncadd.tile.s32 @!p0 $0x1;
	_ =	shalt  }
.Lfunc_end2:
_tile_overlayer_lowered:
.L_overlay_start_2:
0x7b: {  	(tag) =	ssettag $0x2  }
0x7c: {  	s0 =	rddreg [dreg:$0x0];
	s2 =	stileid.u32  }
0x7d: {  	s1 =	rddreg [dreg:$0x1];
	p0 =	sne.s32 s2, $0x0  }
0x7e: {  	s3 =	rddreg [dreg:$0x2];
	[bflag:$0x3] =	sbarrier.arrive $0xFFFF;
	s2 =	simm.s32 @!p0 $0x1C03  }
0x7f: {  	[timem:s3], [sflag:s2] =	dma.local @!p0 [hbm:s0], s1  }
0x80: {  	s0 =	simm.s32 @!p0 $0x3  }
0x81: {  	_ =	swait.ge @!p0 [sflag:s0], s1  }
0x82: {  	s1 =	ssub.s32 @!p0 $0x0, s1;
	[sflag:s0] =	ssyncset.done @!p0 $0x0  }
0x83: {  	[sflag:s0] =	ssyncadd.s32 @!p0 s1  }
0x84: {  	[bflag:$0x3] =	sbarrier.arrive $0xFFFF  }
0x85: {  	_ =	shalt  }

</sc_bundles>
